<compile_context>
chip_gen: v7x
topology: tpu7x:2x2x1
jax: 0.10.2.dev20260603
libtpu: 0.0.44.dev20260713+nightly
codegen_flags: <defaults>
</compile_context>

<pallas_src>
import jax
import jax.numpy as jnp
from jax import lax
from jax.experimental import pallas as pl
from jax.experimental.pallas import tpu as pltpu
from jax.experimental.pallas import tpu_sc as plsc

D_MODEL = 1024
MAX_LEN = 8192
N_ROWS = 4 * 8192
NC, NS, L = 2, 16, 16
NW = NC * NS
B_PER_W = N_ROWS // NW
CHUNK = 32
NCH = B_PER_W // CHUNK
VECS = B_PER_W // L

_MAGIC = 12582912.0


def _pe_lookup_body(pos_hbm, pe_hbm, out_hbm, pos_v, idx_v,
                    rows0, rows1, gsem0, gsem1, wsem0, wsem1):
    wid = lax.axis_index("s") * NC + lax.axis_index("c")
    base = wid * B_PER_W
    rows = (rows0, rows1)
    gsem = (gsem0, gsem1)
    wsem = (wsem0, wsem1)

    pltpu.sync_copy(pos_hbm.at[pl.ds(base, B_PER_W)], pos_v)

    def idx_body(j, _):
        x = pos_v[pl.ds(j * L, L)]
        y = x * float(MAX_LEN)
        r = (y + _MAGIC) - _MAGIC
        r = jnp.minimum(jnp.maximum(r, 0.0), float(MAX_LEN - 1))
        g = j // (CHUNK // L)
        k = j % (CHUNK // L)
        idx_v[g, pl.ds(k * L, L)] = r.astype(jnp.int32)
        return 0

    lax.fori_loop(0, VECS, idx_body, 0)

    pltpu.async_copy(pe_hbm.at[idx_v.at[0]], rows0, gsem0)
    pltpu.async_copy(pe_hbm.at[idx_v.at[1]], rows1, gsem1)

    def outer(i, _):
        for b in range(2):
            g = 2 * i + b
            pltpu.make_async_copy(
                pe_hbm.at[idx_v.at[g]], rows[b], gsem[b]).wait()
            pltpu.async_copy(
                rows[b], out_hbm.at[pl.ds(base + g * CHUNK, CHUNK)], wsem[b])

            @pl.when(g + 2 < NCH)
            def _():
                pltpu.make_async_copy(
                    rows[b], out_hbm.at[pl.ds(base + g * CHUNK, CHUNK)],
                    wsem[b]).wait()
                pltpu.async_copy(pe_hbm.at[idx_v.at[g + 2]], rows[b], gsem[b])
        return 0

    lax.fori_loop(0, NCH // 2, outer, 0)

    for b, g in ((0, NCH - 2), (1, NCH - 1)):
        pltpu.make_async_copy(
            rows[b], out_hbm.at[pl.ds(base + g * CHUNK, CHUNK)],
            wsem[b]).wait()


@jax.jit
def _pe_lookup(pos_flat, pe):
    mesh = plsc.VectorSubcoreMesh(core_axis_name="c", subcore_axis_name="s")
    run = pl.kernel(
        _pe_lookup_body,
        out_type=jax.ShapeDtypeStruct((N_ROWS, D_MODEL), jnp.float32),
        mesh=mesh,
        scratch_types=[
            pltpu.VMEM((B_PER_W,), jnp.float32),
            pltpu.VMEM((NCH, CHUNK), jnp.int32),
            pltpu.VMEM((CHUNK, D_MODEL), jnp.float32),
            pltpu.VMEM((CHUNK, D_MODEL), jnp.float32),
            pltpu.SemaphoreType.DMA,
            pltpu.SemaphoreType.DMA,
            pltpu.SemaphoreType.DMA,
            pltpu.SemaphoreType.DMA,
        ],
    )
    return run(pos_flat, pe)


def kernel(pos, pe):
    out = _pe_lookup(pos.reshape(-1), pe)
    return out.reshape(pos.shape + (pe.shape[1],))

# --- scband reference (transcript-rebuilt; emitter-appended) ---
"""Pipeline reference for scband-positional-encoding-trans-8435315769704 (READ-ONLY COPY).

The authoritative reference and input builder live on the scoring server;
editing this copy changes nothing except your own understanding.
"""

import math
import jax, jax.numpy as jnp
import numpy as np

D_MODEL = 1024
MAX_LEN = 8192
BATCH = 4
SEQ = 8192


def _build_pe(max_len, d_model):
    position = jnp.arange(0, max_len, dtype=jnp.float32)[:, None]
    div_term = jnp.exp(jnp.arange(0, d_model, 2).astype(jnp.float32) * (-math.log(10000.0) / d_model))
    pe = jnp.zeros((max_len, d_model), dtype=jnp.float32)
    pe = pe.at[:, 0::2].set(jnp.sin(position * div_term))
    pe = pe.at[:, 1::2].set(jnp.cos(position * div_term))
    return pe


def setup_inputs(seed: int = 0) -> dict:
    key = jax.random.key(seed)
    k_pos, = jax.random.split(key, 1)
    pos = jax.random.uniform(k_pos, (BATCH, SEQ), dtype=jnp.float32)
    pe = _build_pe(MAX_LEN, D_MODEL)
    return {"pos": pos, "pe": pe}


def reference(pos, pe):
    max_len = pe.shape[0]
    # index = torch.round(pos * self.max_len).long(); clamp keeps indices in-range
    index = jnp.clip(jnp.round(pos * max_len).astype(jnp.int32), 0, max_len - 1)
    # p = self.pe[index]  -> gather rows from the positional table
    p = jnp.take(pe, index, axis=0)
    return p

if __name__ == "__main__":
    import jax
    _d = setup_inputs()
    print(jax.jit(kernel)(*tuple(_d.values())))

</pallas_src>

<mosaic_0001>
#map = affine_map<(d0, d1) -> (0)>
#map1 = affine_map<(d0, d1) -> (0, 0)>
module attributes {stable_mosaic.version = 14 : i64} {
  func.func @_pe_lookup_body(%arg0: i32, %arg1: i32, %arg2: memref<32768xf32, #tpu.memory_space<hbm>>, %arg3: memref<8192x1024xf32, #tpu.memory_space<hbm>>, %arg4: memref<32768x1024xf32, #tpu.memory_space<hbm>>, %arg5: memref<1024xf32, #tpu.memory_space<vmem>>, %arg6: memref<32x32xi32, #tpu.memory_space<vmem>>, %arg7: memref<32x1024xf32, #tpu.memory_space<vmem>>, %arg8: memref<32x1024xf32, #tpu.memory_space<vmem>>, %arg9: memref<!tpu.dma_semaphore, #tpu.memory_space<semaphore_mem>>, %arg10: memref<!tpu.dma_semaphore, #tpu.memory_space<semaphore_mem>>, %arg11: memref<!tpu.dma_semaphore, #tpu.memory_space<semaphore_mem>>, %arg12: memref<!tpu.dma_semaphore, #tpu.memory_space<semaphore_mem>>) attributes {dimension_semantics = [#tpu.dimension_semantics<core_parallel>, #tpu.dimension_semantics<subcore_parallel>], iteration_bounds = array<i64: 2, 16>, scalar_prefetch = 0 : i64, scratch_operands = 8 : i64, tpu.core_type = #tpu.core_type<sc_vector_subcore>, window_params = [{transform_indices = #map}, {transform_indices = #map1}, {transform_indices = #map1}]} {
    %mul3A = arith.constant 2 : i32
    %mul3A_0 = arith.muli %arg1, %mul3A : i32
    %add3A = arith.addi %mul3A_0, %arg0 : i32
    %mul3A_1 = arith.constant 1024 : i32
    %mul3A_2 = arith.muli %add3A, %mul3A_1 : i32
    "tpu.region"() ({
      %run_scoped3A = tpu.sem_alloc : memref<!tpu.dma_semaphore, #tpu.memory_space<semaphore_mem>>
      %dma_start3A_40 = tpu.memref_slice %arg2[%mul3A_2] : memref<32768xf32, #tpu.memory_space<hbm>> -> memref<1024xf32, #tpu.memory_space<hbm>>
      %dma_start3A_41 = tpu.memref_slice %arg2[%mul3A_2] : memref<32768xf32, #tpu.memory_space<hbm>> -> memref<1024xf32, #tpu.memory_space<hbm>>
      tpu.enqueue_dma source(%dma_start3A_41 : memref<1024xf32, #tpu.memory_space<hbm>>) target(%arg5 : memref<1024xf32, #tpu.memory_space<vmem>>) target_semaphore(%run_scoped3A : memref<!tpu.dma_semaphore, #tpu.memory_space<semaphore_mem>>)
      %dma_wait3A_42 = tpu.memref_slice %arg2[%mul3A_2] : memref<32768xf32, #tpu.memory_space<hbm>> -> memref<1024xf32, #tpu.memory_space<hbm>>
      %dma_wait3A_43 = tpu.memref_slice %arg2[%mul3A_2] : memref<32768xf32, #tpu.memory_space<hbm>> -> memref<1024xf32, #tpu.memory_space<hbm>>
      tpu.wait_dma2 semaphore(%run_scoped3A : memref<!tpu.dma_semaphore, #tpu.memory_space<semaphore_mem>>) src(%dma_wait3A_43 : memref<1024xf32, #tpu.memory_space<hbm>>) dst(%arg5 : memref<1024xf32, #tpu.memory_space<vmem>>)
      tpu.yield
    }) : () -> ()
    %scan3A = arith.constant 0 : i32
    %scan3A_3 = arith.constant 0 : i32
    %scan3A_4 = arith.constant 64 : i32
    %scan3A_5 = arith.addi %scan3A_3, %scan3A_4 : i32
    %scan3A_6 = arith.constant 1 : i32
    %scan3A_7 = scf.for %scan3A_40 = %scan3A_3 to %scan3A_5 step %scan3A_6 iter_args(%scan3A_41 = %scan3A) -> (i32)  : i32 {
      %mul3A_42 = arith.constant 16 : i32
      %mul3A_43 = arith.muli %scan3A_40, %mul3A_42 : i32
      %get3A = arith.index_cast %mul3A_43 : i32 to index
      %get3A_44 = tpu.vector_load %arg5[%get3A] {strides = array<i32>} : memref<1024xf32, #tpu.memory_space<vmem>>, vector<16xf32>,
      %get3A_45 = vector.shape_cast %get3A_44 : vector<16xf32> to vector<16xf32>
      %mul3A_46 = arith.constant 8.192000e+03 : f32
      %mul3A_47 = vector.broadcast %mul3A_46 : f32 to vector<16xf32>
      %mul3A_48 = arith.mulf %get3A_45, %mul3A_47 : vector<16xf32>
      %add3A_49 = arith.constant 0x4B400000 : f32
      %add3A_50 = vector.broadcast %add3A_49 : f32 to vector<16xf32>
      %add3A_51 = arith.addf %mul3A_48, %add3A_50 : vector<16xf32>
      %sub3A = arith.constant 0x4B400000 : f32
      %sub3A_52 = vector.broadcast %sub3A : f32 to vector<16xf32>
      %sub3A_53 = arith.subf %add3A_51, %sub3A_52 : vector<16xf32>
      %max3A = arith.constant 0.000000e+00 : f32
      %max3A_54 = vector.broadcast %max3A : f32 to vector<16xf32>
      %max3A_55 = arith.maximumf %sub3A_53, %max3A_54 : vector<16xf32>
      %min3A = arith.constant 8.191000e+03 : f32
      %min3A_56 = vector.broadcast %min3A : f32 to vector<16xf32>
      %min3A_57 = arith.minimumf %max3A_55, %min3A_56 : vector<16xf32>
      %jit3A = arith.constant 2 : i32
      %div3A = arith.divsi %scan3A_40, %jit3A : i32
      %sign3A = arith.constant 0 : i32
      %sign3A_58 = arith.cmpi sgt, %scan3A_40, %sign3A : i32
      %sign3A_59 = arith.extui %sign3A_58 : i1 to i32
      %sign3A_60 = arith.constant 0 : i32
      %sign3A_61 = arith.cmpi slt, %scan3A_40, %sign3A_60 : i32
      %sign3A_62 = arith.extui %sign3A_61 : i1 to i32
      %sign3A_63 = arith.subi %sign3A_59, %sign3A_62 : i32
      %sign3A_64 = arith.constant 0 : i32
      %sign3A_65 = arith.cmpi sgt, %jit3A, %sign3A_64 : i32
      %sign3A_66 = arith.extui %sign3A_65 : i1 to i32
      %sign3A_67 = arith.constant 0 : i32
      %sign3A_68 = arith.cmpi slt, %jit3A, %sign3A_67 : i32
      %sign3A_69 = arith.extui %sign3A_68 : i1 to i32
      %sign3A_70 = arith.subi %sign3A_66, %sign3A_69 : i32
      %ne3A = arith.cmpi ne, %sign3A_63, %sign3A_70 : i32
      %rem3A = arith.remsi %scan3A_40, %jit3A : i32
      %ne3A_71 = arith.constant 0 : i32
      %ne3A_72 = arith.cmpi ne, %rem3A, %ne3A_71 : i32
      %and3A = arith.andi %ne3A, %ne3A_72 : i1
      %sub3A_73 = arith.constant 1 : i32
      %sub3A_74 = arith.subi %div3A, %sub3A_73 : i32
      %select_n3A = arith.select %and3A, %sub3A_74, %div3A : i32
      %jit3A_75 = arith.constant 2 : i32
      %eq3A = arith.constant 0 : i32
      %eq3A_76 = arith.cmpi eq, %jit3A_75, %eq3A : i32
      %jit3A_77 = arith.constant 1 : i32
      %select_n3A_78 = arith.select %eq3A_76, %jit3A_77, %jit3A_75 : i32
      %rem3A_79 = arith.remsi %scan3A_40, %select_n3A_78 : i32
      %ne3A_80 = arith.constant 0 : i32
      %ne3A_81 = arith.cmpi ne, %rem3A_79, %ne3A_80 : i32
      %lt3A = arith.constant 0 : i32
      %lt3A_82 = arith.cmpi slt, %rem3A_79, %lt3A : i32
      %lt3A_83 = arith.constant 0 : i32
      %lt3A_84 = arith.cmpi slt, %select_n3A_78, %lt3A_83 : i32
      %ne3A_85 = arith.xori %lt3A_82, %lt3A_84 : i1
      %and3A_86 = arith.andi %ne3A_85, %ne3A_81 : i1
      %add3A_87 = arith.addi %rem3A_79, %select_n3A_78 : i32
      %select_n3A_88 = arith.select %and3A_86, %add3A_87, %rem3A_79 : i32
      %convert_element_type3A = arith.fptosi %min3A_57 : vector<16xf32> to vector<16xi32>
      %mul3A_89 = arith.constant 16 : i32
      %mul3A_90 = arith.muli %select_n3A_88, %mul3A_89 : i32
      %swap3A = arith.index_cast %select_n3A : i32 to index
      %swap3A_91 = arith.index_cast %mul3A_90 : i32 to index
      %swap3A_92 = tpu.vector_load %arg6[%swap3A, %swap3A_91] {strides = array<i32>} : memref<32x32xi32, #tpu.memory_space<vmem>>, vector<1x16xi32>,
      %swap3A_93 = vector.shape_cast %swap3A_92 : vector<1x16xi32> to vector<16xi32>
      %swap3A_94 = vector.shape_cast %convert_element_type3A : vector<16xi32> to vector<1x16xi32>
      tpu.vector_store %arg6[%swap3A, %swap3A_91], %swap3A_94 {strides = array<i32>} : memref<32x32xi32, #tpu.memory_space<vmem>>, vector<1x16xi32>,
      %scan3A_95 = arith.constant 0 : i32
      scf.yield %scan3A_95 : i32
    }
    %scan3A_8 = arith.constant 64 : i32
    %dma_start3A = arith.constant 0 : i32
    %dma_start3A_9 = arith.constant 0 : i32
    %dma_start3A_10 = tpu.memref_slice %arg6[%dma_start3A, %dma_start3A_9] : memref<32x32xi32, #tpu.memory_space<vmem>> -> memref<1x32xi32, #tpu.memory_space<vmem>>
    %dma_start3A_11 = tpu.memref_squeeze %dma_start3A_10 : memref<1x32xi32, #tpu.memory_space<vmem>> -> memref<32xi32, #tpu.memory_space<vmem>>
    %dma_start3A_12 = arith.constant 0 : i32
    %dma_start3A_13 = arith.constant 0 : i32
    %dma_start3A_14 = tpu.memref_slice %arg3[%dma_start3A_12, %dma_start3A_13] : memref<8192x1024xf32, #tpu.memory_space<hbm>> -> memref<8192x1024xf32, #tpu.memory_space<hbm>>
    tpu.enqueue_indirect_dma source(%dma_start3A_14 : memref<8192x1024xf32, #tpu.memory_space<hbm>>) target(%arg7 : memref<32x1024xf32, #tpu.memory_space<vmem>>) offsets(%dma_start3A_11 : memref<32xi32, #tpu.memory_space<vmem>>) semaphore(%arg9 : memref<!tpu.dma_semaphore, #tpu.memory_space<semaphore_mem>>)
    %dma_start3A_15 = arith.constant 1 : i32
    %dma_start3A_16 = arith.constant 0 : i32
    %dma_start3A_17 = tpu.memref_slice %arg6[%dma_start3A_15, %dma_start3A_16] : memref<32x32xi32, #tpu.memory_space<vmem>> -> memref<1x32xi32, #tpu.memory_space<vmem>>
    %dma_start3A_18 = tpu.memref_squeeze %dma_start3A_17 : memref<1x32xi32, #tpu.memory_space<vmem>> -> memref<32xi32, #tpu.memory_space<vmem>>
    %dma_start3A_19 = arith.constant 0 : i32
    %dma_start3A_20 = arith.constant 0 : i32
    %dma_start3A_21 = tpu.memref_slice %arg3[%dma_start3A_19, %dma_start3A_20] : memref<8192x1024xf32, #tpu.memory_space<hbm>> -> memref<8192x1024xf32, #tpu.memory_space<hbm>>
    tpu.enqueue_indirect_dma source(%dma_start3A_21 : memref<8192x1024xf32, #tpu.memory_space<hbm>>) target(%arg8 : memref<32x1024xf32, #tpu.memory_space<vmem>>) offsets(%dma_start3A_18 : memref<32xi32, #tpu.memory_space<vmem>>) semaphore(%arg10 : memref<!tpu.dma_semaphore, #tpu.memory_space<semaphore_mem>>)
    %scan3A_22 = arith.constant 0 : i32
    %scan3A_23 = arith.constant 0 : i32
    %scan3A_24 = arith.constant 16 : i32
    %scan3A_25 = arith.addi %scan3A_23, %scan3A_24 : i32
    %scan3A_26 = arith.constant 1 : i32
    %scan3A_27 = scf.for %scan3A_40 = %scan3A_23 to %scan3A_25 step %scan3A_26 iter_args(%scan3A_41 = %scan3A_22) -> (i32)  : i32 {
      %mul3A_42 = arith.constant 2 : i32
      %mul3A_43 = arith.muli %mul3A_42, %scan3A_40 : i32
      %add3A_44 = arith.constant 0 : i32
      %add3A_45 = arith.addi %mul3A_43, %add3A_44 : i32
      %dma_wait3A_46 = arith.constant 0 : i32
      %dma_wait3A_47 = tpu.memref_slice %arg6[%add3A_45, %dma_wait3A_46] : memref<32x32xi32, #tpu.memory_space<vmem>> -> memref<1x32xi32, #tpu.memory_space<vmem>>
      %dma_wait3A_48 = tpu.memref_squeeze %dma_wait3A_47 : memref<1x32xi32, #tpu.memory_space<vmem>> -> memref<32xi32, #tpu.memory_space<vmem>>
      %dma_wait3A_49 = arith.constant 0 : i32
      %dma_wait3A_50 = arith.constant 0 : i32
      %dma_wait3A_51 = tpu.memref_slice %arg3[%dma_wait3A_49, %dma_wait3A_50] : memref<8192x1024xf32, #tpu.memory_space<hbm>> -> memref<8192x1024xf32, #tpu.memory_space<hbm>>
      tpu.wait_indirect_dma semaphore(%arg9 : memref<!tpu.dma_semaphore, #tpu.memory_space<semaphore_mem>>) src(%dma_wait3A_51 : memref<8192x1024xf32, #tpu.memory_space<hbm>>) dst(%arg7 : memref<32x1024xf32, #tpu.memory_space<vmem>>)
      %mul3A_52 = arith.constant 32 : i32
      %mul3A_53 = arith.muli %add3A_45, %mul3A_52 : i32
      %add3A_54 = arith.addi %mul3A_2, %mul3A_53 : i32
      %dma_start3A_55 = arith.constant 0 : i32
      %dma_start3A_56 = tpu.memref_slice %arg4[%add3A_54, %dma_start3A_55] : memref<32768x1024xf32, #tpu.memory_space<hbm>> -> memref<32x1024xf32, #tpu.memory_space<hbm>>
      %dma_start3A_57 = arith.constant 0 : i32
      %dma_start3A_58 = tpu.memref_slice %arg4[%add3A_54, %dma_start3A_57] : memref<32768x1024xf32, #tpu.memory_space<hbm>> -> memref<32x1024xf32, #tpu.memory_space<hbm>>
      tpu.enqueue_dma source(%arg7 : memref<32x1024xf32, #tpu.memory_space<vmem>>) target(%dma_start3A_58 : memref<32x1024xf32, #tpu.memory_space<hbm>>) target_semaphore(%arg11 : memref<!tpu.dma_semaphore, #tpu.memory_space<semaphore_mem>>)
      %add3A_59 = arith.constant 2 : i32
      %add3A_60 = arith.addi %add3A_45, %add3A_59 : i32
      %lt3A = arith.constant 32 : i32
      %lt3A_61 = arith.cmpi slt, %add3A_60, %lt3A : i32
      %convert_element_type3A = arith.extui %lt3A_61 : i1 to i32
      %cond3A = arith.constant 0 : i32
      %cond3A_62 = arith.cmpi ne, %convert_element_type3A, %cond3A : i32
      scf.if %cond3A_62 {
        %mul3A_88 = arith.constant 32 : i32
        %mul3A_89 = arith.muli %add3A_45, %mul3A_88 : i32
        %add3A_90 = arith.addi %mul3A_2, %mul3A_89 : i32
        %dma_wait3A_91 = arith.constant 0 : i32
        %dma_wait3A_92 = tpu.memref_slice %arg4[%add3A_90, %dma_wait3A_91] : memref<32768x1024xf32, #tpu.memory_space<hbm>> -> memref<32x1024xf32, #tpu.memory_space<hbm>>
        %dma_wait3A_93 = arith.constant 0 : i32
        %dma_wait3A_94 = tpu.memref_slice %arg4[%add3A_90, %dma_wait3A_93] : memref<32768x1024xf32, #tpu.memory_space<hbm>> -> memref<32x1024xf32, #tpu.memory_space<hbm>>
        tpu.wait_dma2 semaphore(%arg11 : memref<!tpu.dma_semaphore, #tpu.memory_space<semaphore_mem>>) src(%arg7 : memref<32x1024xf32, #tpu.memory_space<vmem>>) dst(%dma_wait3A_94 : memref<32x1024xf32, #tpu.memory_space<hbm>>)
        %add3A_95 = arith.constant 2 : i32
        %add3A_96 = arith.addi %add3A_45, %add3A_95 : i32
        %dma_start3A_97 = arith.constant 0 : i32
        %dma_start3A_98 = tpu.memref_slice %arg6[%add3A_96, %dma_start3A_97] : memref<32x32xi32, #tpu.memory_space<vmem>> -> memref<1x32xi32, #tpu.memory_space<vmem>>
        %dma_start3A_99 = tpu.memref_squeeze %dma_start3A_98 : memref<1x32xi32, #tpu.memory_space<vmem>> -> memref<32xi32, #tpu.memory_space<vmem>>
        %dma_start3A_100 = arith.constant 0 : i32
        %dma_start3A_101 = arith.constant 0 : i32
        %dma_start3A_102 = tpu.memref_slice %arg3[%dma_start3A_100, %dma_start3A_101] : memref<8192x1024xf32, #tpu.memory_space<hbm>> -> memref<8192x1024xf32, #tpu.memory_space<hbm>>
        tpu.enqueue_indirect_dma source(%dma_start3A_102 : memref<8192x1024xf32, #tpu.memory_space<hbm>>) target(%arg7 : memref<32x1024xf32, #tpu.memory_space<vmem>>) offsets(%dma_start3A_99 : memref<32xi32, #tpu.memory_space<vmem>>) semaphore(%arg9 : memref<!tpu.dma_semaphore, #tpu.memory_space<semaphore_mem>>)
      } else {
      }
      %mul3A_63 = arith.constant 2 : i32
      %mul3A_64 = arith.muli %mul3A_63, %scan3A_40 : i32
      %add3A_65 = arith.constant 1 : i32
      %add3A_66 = arith.addi %mul3A_64, %add3A_65 : i32
      %dma_wait3A_67 = arith.constant 0 : i32
      %dma_wait3A_68 = tpu.memref_slice %arg6[%add3A_66, %dma_wait3A_67] : memref<32x32xi32, #tpu.memory_space<vmem>> -> memref<1x32xi32, #tpu.memory_space<vmem>>
      %dma_wait3A_69 = tpu.memref_squeeze %dma_wait3A_68 : memref<1x32xi32, #tpu.memory_space<vmem>> -> memref<32xi32, #tpu.memory_space<vmem>>
      %dma_wait3A_70 = arith.constant 0 : i32
      %dma_wait3A_71 = arith.constant 0 : i32
      %dma_wait3A_72 = tpu.memref_slice %arg3[%dma_wait3A_70, %dma_wait3A_71] : memref<8192x1024xf32, #tpu.memory_space<hbm>> -> memref<8192x1024xf32, #tpu.memory_space<hbm>>
      tpu.wait_indirect_dma semaphore(%arg10 : memref<!tpu.dma_semaphore, #tpu.memory_space<semaphore_mem>>) src(%dma_wait3A_72 : memref<8192x1024xf32, #tpu.memory_space<hbm>>) dst(%arg8 : memref<32x1024xf32, #tpu.memory_space<vmem>>)
      %mul3A_73 = arith.constant 32 : i32
      %mul3A_74 = arith.muli %add3A_66, %mul3A_73 : i32
      %add3A_75 = arith.addi %mul3A_2, %mul3A_74 : i32
      %dma_start3A_76 = arith.constant 0 : i32
      %dma_start3A_77 = tpu.memref_slice %arg4[%add3A_75, %dma_start3A_76] : memref<32768x1024xf32, #tpu.memory_space<hbm>> -> memref<32x1024xf32, #tpu.memory_space<hbm>>
      %dma_start3A_78 = arith.constant 0 : i32
      %dma_start3A_79 = tpu.memref_slice %arg4[%add3A_75, %dma_start3A_78] : memref<32768x1024xf32, #tpu.memory_space<hbm>> -> memref<32x1024xf32, #tpu.memory_space<hbm>>
      tpu.enqueue_dma source(%arg8 : memref<32x1024xf32, #tpu.memory_space<vmem>>) target(%dma_start3A_79 : memref<32x1024xf32, #tpu.memory_space<hbm>>) target_semaphore(%arg12 : memref<!tpu.dma_semaphore, #tpu.memory_space<semaphore_mem>>)
      %add3A_80 = arith.constant 2 : i32
      %add3A_81 = arith.addi %add3A_66, %add3A_80 : i32
      %lt3A_82 = arith.constant 32 : i32
      %lt3A_83 = arith.cmpi slt, %add3A_81, %lt3A_82 : i32
      %convert_element_type3A_84 = arith.extui %lt3A_83 : i1 to i32
      %cond3A_85 = arith.constant 0 : i32
      %cond3A_86 = arith.cmpi ne, %convert_element_type3A_84, %cond3A_85 : i32
      scf.if %cond3A_86 {
        %mul3A_88 = arith.constant 32 : i32
        %mul3A_89 = arith.muli %add3A_66, %mul3A_88 : i32
        %add3A_90 = arith.addi %mul3A_2, %mul3A_89 : i32
        %dma_wait3A_91 = arith.constant 0 : i32
        %dma_wait3A_92 = tpu.memref_slice %arg4[%add3A_90, %dma_wait3A_91] : memref<32768x1024xf32, #tpu.memory_space<hbm>> -> memref<32x1024xf32, #tpu.memory_space<hbm>>
        %dma_wait3A_93 = arith.constant 0 : i32
        %dma_wait3A_94 = tpu.memref_slice %arg4[%add3A_90, %dma_wait3A_93] : memref<32768x1024xf32, #tpu.memory_space<hbm>> -> memref<32x1024xf32, #tpu.memory_space<hbm>>
        tpu.wait_dma2 semaphore(%arg12 : memref<!tpu.dma_semaphore, #tpu.memory_space<semaphore_mem>>) src(%arg8 : memref<32x1024xf32, #tpu.memory_space<vmem>>) dst(%dma_wait3A_94 : memref<32x1024xf32, #tpu.memory_space<hbm>>)
        %add3A_95 = arith.constant 2 : i32
        %add3A_96 = arith.addi %add3A_66, %add3A_95 : i32
        %dma_start3A_97 = arith.constant 0 : i32
        %dma_start3A_98 = tpu.memref_slice %arg6[%add3A_96, %dma_start3A_97] : memref<32x32xi32, #tpu.memory_space<vmem>> -> memref<1x32xi32, #tpu.memory_space<vmem>>
        %dma_start3A_99 = tpu.memref_squeeze %dma_start3A_98 : memref<1x32xi32, #tpu.memory_space<vmem>> -> memref<32xi32, #tpu.memory_space<vmem>>
        %dma_start3A_100 = arith.constant 0 : i32
        %dma_start3A_101 = arith.constant 0 : i32
        %dma_start3A_102 = tpu.memref_slice %arg3[%dma_start3A_100, %dma_start3A_101] : memref<8192x1024xf32, #tpu.memory_space<hbm>> -> memref<8192x1024xf32, #tpu.memory_space<hbm>>
        tpu.enqueue_indirect_dma source(%dma_start3A_102 : memref<8192x1024xf32, #tpu.memory_space<hbm>>) target(%arg8 : memref<32x1024xf32, #tpu.memory_space<vmem>>) offsets(%dma_start3A_99 : memref<32xi32, #tpu.memory_space<vmem>>) semaphore(%arg10 : memref<!tpu.dma_semaphore, #tpu.memory_space<semaphore_mem>>)
      } else {
      }
      %scan3A_87 = arith.constant 0 : i32
      scf.yield %scan3A_87 : i32
    }
    %scan3A_28 = arith.constant 16 : i32
    %add3A_29 = arith.constant 960 : i32
    %add3A_30 = arith.addi %mul3A_2, %add3A_29 : i32
    %dma_wait3A = arith.constant 0 : i32
    %dma_wait3A_31 = tpu.memref_slice %arg4[%add3A_30, %dma_wait3A] : memref<32768x1024xf32, #tpu.memory_space<hbm>> -> memref<32x1024xf32, #tpu.memory_space<hbm>>
    %dma_wait3A_32 = arith.constant 0 : i32
    %dma_wait3A_33 = tpu.memref_slice %arg4[%add3A_30, %dma_wait3A_32] : memref<32768x1024xf32, #tpu.memory_space<hbm>> -> memref<32x1024xf32, #tpu.memory_space<hbm>>
    tpu.wait_dma2 semaphore(%arg11 : memref<!tpu.dma_semaphore, #tpu.memory_space<semaphore_mem>>) src(%arg7 : memref<32x1024xf32, #tpu.memory_space<vmem>>) dst(%dma_wait3A_33 : memref<32x1024xf32, #tpu.memory_space<hbm>>)
    %add3A_34 = arith.constant 992 : i32
    %add3A_35 = arith.addi %mul3A_2, %add3A_34 : i32
    %dma_wait3A_36 = arith.constant 0 : i32
    %dma_wait3A_37 = tpu.memref_slice %arg4[%add3A_35, %dma_wait3A_36] : memref<32768x1024xf32, #tpu.memory_space<hbm>> -> memref<32x1024xf32, #tpu.memory_space<hbm>>
    %dma_wait3A_38 = arith.constant 0 : i32
    %dma_wait3A_39 = tpu.memref_slice %arg4[%add3A_35, %dma_wait3A_38] : memref<32768x1024xf32, #tpu.memory_space<hbm>> -> memref<32x1024xf32, #tpu.memory_space<hbm>>
    tpu.wait_dma2 semaphore(%arg12 : memref<!tpu.dma_semaphore, #tpu.memory_space<semaphore_mem>>) src(%arg8 : memref<32x1024xf32, #tpu.memory_space<vmem>>) dst(%dma_wait3A_39 : memref<32x1024xf32, #tpu.memory_space<hbm>>)
    return
  }
}

</mosaic_0001>

<sc_bundles>
// kernel: _pe_lookup.3.cloned.1.call-start
scs
__scs_entry_jumppad:
0x0: {  	(pc) =	sbr.rel $0x88, $3  }
0x1: {  	(tag) =	ssettag $0x0;
	lr =	simm.s32 $0x1  }
0x2: {  	[smem:$0x3F9F] =	sst lr;
	_ =	strace $0xD0000000  }
0x3: {  	_ = 	snop  }
0x4: {  	_ = 	snop  }
0x5: {  	_ = 	snop  }
0x6: {  	_ = 	snop  }
0x7: {  	_ = 	snop  }
__scs_overlays_trampoline_lowered:
0x8: {  	[smem:$0x3FAE] =	sst s0  }
0x9: {  	[smem:$0x3FAF] =	sst s1  }
0xa: {  	[smem:$0x3FB0] =	sst s2  }
0xb: {  	[smem:$0x3FB1] =	sst s3  }
0xc: {  	[smem:$0x3FB2] =	sst s4  }
0xd: {  	[smem:$0x3FB3] =	sst s5  }
0xe: {  	[smem:$0x3FB4] =	sst s6  }
0xf: {  	[smem:$0x3FB5] =	sst s7  }
0x10: {  	[smem:$0x3FB6] =	sst s8  }
0x11: {  	[smem:$0x3FB7] =	sst s9;
	s0 =	simm.s32 @!p0 $0x0  }
0x12: {  	s1 =	sld [smem:$0x3F9D];
	s0 =	simm.s32 @p0 $0x1  }
0x13: {  	[smem:$0x3FB8] =	sst s0;
	s0 =	simm.s32 @!p1 $0x0  }
0x14: {  	s2 =	sld [smem:$0x3F9C];
	s0 =	simm.s32 @p1 $0x1  }
0x15: {  	[smem:$0x3FB9] =	sst s0;
	s0 =	simm.s32 @!p2 $0x0  }
0x16: {  	s3 =	sld [smem:$0x3FDB];
	s0 =	simm.s32 @p2 $0x1  }
0x17: {  	s4 =	simm.s32 $0x1BF5;
	[smem:$0x3FBB] =	sst s0  }
0x18: {  	s0 =	sld [smem:$0x3F9E];
	_ =	swait.ge [sflag:s4], $0x0  }
0x19: {  	s7 =	sld [smem:$0x3F9F]  }
0x1a: {  	s8 =	sadd.s32 $0xFFFFE003, lr  }
0x1b: {  	s9 =	sadd.s32 $0xFFFFFEF7, lr;
	s5 =	simm.s32 $0xFFFFFFFF;
	p2 =	slt.u32 s8, $0xFFFFF086  }
0x1c: {  	p1 =	slt.u32 s9, $0xF7A;
	s5 =	simm.s32 @!p2 $0x0  }
0x1d: {  	s5 =	simm.s32 @p1 $0x1;
	p0 =	seq.s32 s7, s2  }
0x1e: {  	s7 =	smul.u32 @!p0 $0xF7A, s2;
	p2 =	seq.s32 @!p0 s5, $0x0  }
0x1f: {  	s9 =	smul.u32 $0xF7A, s1;
	s8 =	simm.s32 @!p0 $0x1BF5;
	p2 =	por !p2, p0  }
0x20: {  	[sflag:s8] =	ssyncset.s32 @!p0 $0xFFFFF086;
	s6 =	sadd.s32 @!p0 s3, s7;
	s7 =	simm.s32 @!p0 $0x108  }
0x21: {  	s3 =	sadd.s32 s3, s9;
	s6 =	sadd.s32 @!p0 $0x88, s6;
	s7 =	simm.s32 @p2 $0x1082  }
0x22: {  	[simem:s7], [sflag:s8] =	dma.local @!p0 [hbm:s6], $0xF7A  }
0x23: {  	s9 =	sor.u32 $0xD0000000, s2;
	s6 =	simm.s32 $0x108;
	_ =	swait.ge @!p0 [sflag:s8], $0x0  }
0x24: {  	s3 =	sadd.s32 $0x88, s3;
	s6 =	simm.s32 @!p1 $0x1082;
	[sflag:s4] =	ssyncset.s32 $0xFFFFF086  }
0x25: {  	[simem:s6], [sflag:s4] =	dma.local [hbm:s3], $0xF7A  }
0x26: {  	[smem:$0x3F9F] =	sst s1;
	(tag) =	ssettag s2;
	_ =	strace s9  }
0x27: {  	s1 =	sld [smem:$0x3FAF]  }
0x28: {  	s2 =	sld [smem:$0x3FB0]  }
0x29: {  	s4 =	sld [smem:$0x3FB2]  }
0x2a: {  	p0 =	seq.s32 s5, $0x0;
	s5 =	sld [smem:$0x3FB3]  }
0x2b: {  	s6 =	sld [smem:$0x3FB4]  }
0x2c: {  	s7 =	sld [smem:$0x3FB5]  }
0x2d: {  	s3 =	simm.s32 $0x108;
	s8 =	sld [smem:$0x3FB6]  }
0x2e: {  	s3 =	simm.s32 @!p0 $0x1082;
	s9 =	sld [smem:$0x3FB7]  }
0x2f: {  	lr =	sadd.s32 s0, s3;
	s0 =	sld [smem:$0x3FAE]  }
0x30: {  	s3 =	sld [smem:$0x3FB1]  }
0x31: {  	[smem:$0x3FBA] =	sst s10  }
0x32: {  	s10 =	sld [smem:$0x3FB8];
	_ =	sdelay $0x3  }
0x33: {  	p0 =	seq.s32 s10, $0x1;
	s10 =	sld [smem:$0x3FBA];
	_ =	sdelay $0x3  }
0x34: {  	[smem:$0x3FBA] =	sst s10  }
0x35: {  	s10 =	sld [smem:$0x3FB9];
	_ =	sdelay $0x3  }
0x36: {  	p1 =	seq.s32 s10, $0x1;
	s10 =	sld [smem:$0x3FBA];
	_ =	sdelay $0x3  }
0x37: {  	[smem:$0x3FBA] =	sst s10  }
0x38: {  	s10 =	sld [smem:$0x3FBB]  }
0x39: {  	_ = 	snop;
	(pc) =	sbr.ind lr, $3  }
0x3a: {  	_ = 	snop  }
0x3b: {  	_ = 	snop  }
0x3c: {  	p2 =	seq.s32 s10, $0x1;
	s10 =	sld [smem:$0x3FBA]  }
0x3d: {  	_ =	shalt  }
0x3e: {  	_ =	shalt  }
0x3f: {  	_ =	shalt  }
0x40: {  	_ =	shalt  }
0x41: {  	_ =	shalt  }
0x42: {  	_ =	shalt  }
0x43: {  	_ =	shalt  }
0x44: {  	_ =	shalt  }
0x45: {  	_ =	shalt  }
0x46: {  	_ =	shalt  }
0x47: {  	_ =	shalt  }
0x48: {  	_ =	shalt  }
0x49: {  	_ =	shalt  }
0x4a: {  	_ =	shalt  }
0x4b: {  	_ =	shalt  }
0x4c: {  	_ =	shalt  }
0x4d: {  	_ =	shalt  }
0x4e: {  	_ =	shalt  }
0x4f: {  	_ =	shalt  }
0x50: {  	_ =	shalt  }
0x51: {  	_ =	shalt  }
0x52: {  	_ =	shalt  }
0x53: {  	_ =	shalt  }
0x54: {  	_ =	shalt  }
0x55: {  	_ =	shalt  }
0x56: {  	_ =	shalt  }
0x57: {  	_ =	shalt  }
0x58: {  	_ =	shalt  }
0x59: {  	_ =	shalt  }
0x5a: {  	_ =	shalt  }
0x5b: {  	_ =	shalt  }
0x5c: {  	_ =	shalt  }
0x5d: {  	_ =	shalt  }
0x5e: {  	_ =	shalt  }
0x5f: {  	_ =	shalt  }
0x60: {  	_ =	shalt  }
0x61: {  	_ =	shalt  }
0x62: {  	_ =	shalt  }
0x63: {  	_ =	shalt  }
0x64: {  	_ =	shalt  }
0x65: {  	_ =	shalt  }
0x66: {  	_ =	shalt  }
0x67: {  	_ =	shalt  }
0x68: {  	_ =	shalt  }
0x69: {  	_ =	shalt  }
0x6a: {  	_ =	shalt  }
0x6b: {  	_ =	shalt  }
0x6c: {  	_ =	shalt  }
0x6d: {  	_ =	shalt  }
0x6e: {  	_ =	shalt  }
0x6f: {  	_ =	shalt  }
0x70: {  	_ =	shalt  }
0x71: {  	_ =	shalt  }
0x72: {  	_ =	shalt  }
0x73: {  	_ =	shalt  }
0x74: {  	_ =	shalt  }
0x75: {  	_ =	shalt  }
0x76: {  	_ =	shalt  }
0x77: {  	_ =	shalt  }
0x78: {  	_ =	shalt  }
0x79: {  	_ =	shalt  }
0x7a: {  	_ =	shalt  }
0x7b: {  	_ =	shalt  }
0x7c: {  	_ =	shalt  }
0x7d: {  	_ =	shalt  }
0x7e: {  	_ =	shalt  }
0x7f: {  	_ =	shalt  }
0x80: {  	_ =	shalt  }
0x81: {  	_ =	shalt  }
0x82: {  	_ =	shalt  }
0x83: {  	_ =	shalt  }
0x84: {  	_ =	shalt  }
0x85: {  	_ =	shalt  }
0x86: {  	_ =	shalt  }
0x87: {  	_ =	shalt  }
.Lfunc_end0:
.L_simem_size_0:
called_computation_lowered:
.L_overlay_start_0:
0x88: {  	s2 =	sld [smem:$0x3FD9]  }
0x89: {  	s3 =	sld [smem:$0x3FFE];
	_ =	sdelay $0x1  }
0x8a: {  	s1 =	srdreg.scid  }
0x8b: {  	s0 =	sand.u32 $0x1, s1  }
0x8c: {  	s18 =	sshll.u32 s0, $0xA;
	s2 =	sadd.s32 s3, s2  }
0x8d: {  	s2 =	sadd.s32 s2, s18  }
0x8e: {  	[smem:$0x3FC6] =	sst s2  }
0x8f: {  	_ = 	snop  }
0x90: {  	s2 =	sld [smem:$0x3FC9]  }
0x91: {  	s19 =	sld [smem:$0x3FC8]  }
0x92: {  	s4 =	sld [smem:$0x3FD0];
	(tm) =	ssettm $0x1  }
0x93: {  	s5 =	sld [smem:$0x3FFB];
	_ =	sdelay $0x3  }
0x94: {  	_ =	strace s5  }
0x95: {  	s5 =	sld [smem:$0x3FFC];
	_ =	sdelay $0x3  }
0x96: {  	_ =	strace s5  }
0x97: {  	s5 =	sld [smem:$0x3FFD];
	_ =	sdelay $0x3  }
0x98: {  	_ =	strace s5  }
0x99: {  	_ =	strace $0x8FFFFFFF  }
0x9a: {  	s20 =	sld [smem:$0x3FDB];
	_ =	sdelay $0x1  }
0x9b: {  	s6 =	simm.s32 $_scs_section_size  }
0x9c: {  	s7 =	simm.s32 $_size__tile_overlayer_lowered;
	s8 =	simm.s32 $_tile_overlayer_lowered  }
0x9d: {  	s23 =	simm.s32 $0x1BFF;
	s22 =	sshll.u32 s8, $0x1;
	s5 =	sadd.s32 s6, s20  }
0x9e: {  	s9 =	simm.s32 $0x0;
	s21 =	sshll.u32 s7, $0x1;
	s7 =	sadd.s32 s22, s5  }
0x9f: {  	[timem:s9], [sflag:s23] =	dma.local [hbm:s7], s21  }
0xa0: {  	_ =	swait.ge [sflag:s23], s21  }
0xa1: {  	s6 =	ssub.s32 $0x0, s21;
	[sflag:s23] =	ssyncset.done $0x0  }
0xa2: {  	[sflag:s23] =	ssyncadd.s32 s6;
	_ =	sdelay $0x1  }
0xa3: {  	s24 =	simm.s32 $0x1B8B  }
0xa4: {  	_ =	swait.ge [sflag:s24], $0x1  }
0xa5: {  	[sflag:s24] =	ssyncset.done $0x0  }
0xa6: {  	s25 =	simm.s32 $0x1B8E;
	[sflag:s24] =	ssyncadd.s32 $0xFFFFFFFF  }
0xa7: {  	s26 =	simm.s32 $execute0_lowered;
	[smem:$0x3FD2] =	sst s25  }
0xa8: {  	s6 =	sshll.u32 s26, $0x1;
	_ =	strace $0x80000046;
	[dreg:$0x1] =	wrdreg $0xFFFFFFFF  }
0xa9: {  	s28 =	simm.s32 $_size_execute0_lowered;
	s5 =	sadd.s32 s5, s6;
	[dreg:$0x0] =	wrdreg $0x0  }
0xaa: {  	s6 =	sshll.u32 s28, $0x1;
	[dreg:$0x2] =	wrdreg s5  }
0xab: {  	[dreg:$0x3] =	wrdreg s6  }
0xac: {  	[dreg:$0x4] =	wrdreg $0xC0  }
0xad: {  	_ =	task [dreg:s9], $0x5FFFF  }
0xae: {  	[dreg:$0x1] =	wrdreg $0xFFFFFFFF  }
0xaf: {  	[dreg:$0x0] =	wrdreg $0x60  }
0xb0: {  	[dreg:$0x2] =	wrdreg s2  }
0xb1: {  	[dreg:$0x3] =	wrdreg s19  }
0xb2: {  	[dreg:$0x4] =	wrdreg s4  }
0xb3: {  	[dreg:$0x5] =	wrdreg $0x9  }
0xb4: {  	_ =	task.clear_ibuf [dreg:s9], $0x6FFFF;
	_ =	strace $0x90000046  }
0xb5: {  	s29 =	simm.s32 $0x9;
	_ =	strace $0x80000048  }
0xb6: {  	_ =	swait.ge [sflag:s29], $0x1  }
0xb7: {  	[sflag:s29] =	ssyncadd.s32 $0xFFFFFFFF  }
0xb8: {  	_ =	strace $0x90000048  }
0xb9: {  	_ =	sfence  }
0xba: {  	s30 =	sld [smem:$0x0];
	_ =	sdelay $0x2  }
0xbb: {  	s31 =	sshll.u32 s1, $0xD;
	s1 =	sshrl.u32 s1, $0x2  }
0xbc: {  	s3 =	sand.u32 $0x4000, s31;
	s1 =	sadd.s32 s1, s30  }
0xbd: {  	s0 =	sor.u32 s3, s0;
	s1 =	sshll.u32 s1, $0x11  }
0xbe: {  	s0 =	sor.u32 s1, s0  }
0xbf: {  	s0 =	sadd.s32 $0x8F2B, s0  }
0xc0: {  	[sflag:s0] =	ssyncadd.remote.s32 $0x1  }
0xc1: {  	_ =	sfence.sel $0xFFFF  }
0xc2: {  	[dreg:$0x0] =	wrdreg $0xFFFFFFFF;
	(pc) =	sbr.abs _section_cstart, $3  }
0xc3: {  	[dreg:$0x1] =	wrdreg $0xFFFFFFFF  }
0xc4: {  	_ =	task.clear_ibuf [dreg:s9], $0x2FFFF;
	_ =	strace $0x9FFFFFFF  }
0xc5: {  	(tm) =	ssettm $0x7FFFFFFF  }
tec
execute0_lowered:
.L_overlay_start_1:
0x0: {  	(tag) =	ssettag $0x1  }
0x1: {  	s0 =	rddreg [dreg:$0x0]  }
0x2: {  	s2 =	rddreg [dreg:$0x1]  }
0x3: {  	s1 =	srdreg.scid;
	s4 =	rddreg [dreg:$0x2]  }
0x4: {  	s10 =	stileid.u32;
	s3 =	simm.s32 $0x0;
	s20 =	simm.s32 $0x1  }
0x5: {  	s21 =	simm.s32 $0x3;
	s22 =	simm.s32 $0x2;
	s23 =	simm.s32 $0x4  }
0x6: {  	s19 =	simm.s32 $0xA400;
	s16 =	simm.s32 $0x9400;
	s11 =	simm.s32 $0xE400  }
0x7: {  	s13 =	simm.s32 $0xEC00;
	s14 =	simm.s32 $0xF400;
	s15 =	simm.s32 $0xFC00  }
0x8: {  	s29 =	simm.s32 $0x10400;
	s17 =	simm.s32 $0x10C00;
	s1 =	sand.u32 $0x1, s1  }
0x9: {  	s5 =	sshll.u32 s10, $0xB;
	[smem:$0x7FF] =	sst s3;
	s30 =	sshll.u32 s10, $0x12  }
0xa: {  	s10 =	simm.s32 $0xD400;
	s6 =	sshll.u32 s1, $0xA;
	s7 =	ssub.s32 $0x2, s1  }
0xb: {  	_ =	strace $0x80000047;
	s1 =	sshll.u32 s1, $0x11;
	s8 =	sor.u32 s6, s5  }
0xc: {  	s26 =	sshrl.u32 s7, $0x1;
	s5 =	sadd.s32 $0x100, s2;
	s6 =	sshrl.u32 s8, $0x3  }
0xd: {  	s9 =	ssub.s32 s7, s26;
	s28 =	sshll.u32 s8, $0x7;
	s7 =	sadd.s32 $0x300, s2  }
0xe: {  	s8 =	simm.s32 $0x1400;
	s0 =	sadd.s32 s0, s6;
	s6 =	sadd.s32 $0x200, s2  }
0xf: {  	s31 =	smax.u32 s9, $0x1;
	[dreg:$0x4] =	wrdreg s0;
	s0 =	sadd.s32 s4, s28  }
0x10: {  	v2 =	vlaneseq.u32;
	s9 =	simm.s32 $0xDC00;
	[dreg:$0x5] =	wrdreg s0;
	s0 =	sadd.s32 s30, s4  }
0x11: {  	vm0 =	vmmov $0xffff;
	v1 =	vshrl.u32 v2, $0x3;
	[dreg:$0x6] =	wrdreg s31;
	s4 =	simm.s32 $0x0;
	s12 =	sadd.s32 s1, s0  }
0x12: {  	v0 =	vand.u32 $0x7, v2;
	v2 =	vor.u32 $0x8, v2;
	v1 =	vmul.u32 $0x8, v1;
	s0 =	simm.s32 $0x1400;
	s1 =	simm.s32 $0x9400;
	[dreg:$0x7] =	wrdreg s12  }
.LBB2_1:
0x13: {  	[dreg:$0x8] =	wrdreg s4  }
0x14: {  	s24 =	rddreg [dreg:$0x4];
	s30 =	simm.s32 $0x5  }
0x15: {  	[tilespmem:s3], [sflag:$0x5] =	stream.linear.gather [hbm4b:s24+s3], $0x400, $0x38;
	[tilespmem:$0x11400] =	vst v63  }
0x16: {  	_ =	swait.ge [sflag:s30], $0x400  }
0x17: {  	[sflag:s30] =	ssyncset.done $0x0  }
0x18: {  	[sflag:s30] =	ssyncadd.s32 $0xFFFFFC00  }
0x19: {  	v3 =	vld [tilespmem:s3+$0x0];
	_ =	sdelay $0x4  }
0x1a: {  	v3 =	vmul.f32 $8.192000000e+03, v3;
	_ =	sdelay $0x1  }
0x1b: {  	v3 =	vadd.f32 $1.258291200e+07, v3;
	_ =	sdelay $0x1  }
0x1c: {  	v3 =	vadd.f32 $-1.258291200e+07, v3;
	_ =	sdelay $0x1  }
0x1d: {  	v3 =	vmax.f32 v3, $0.0e+00  }
0x1e: {  	v3 =	vmin.f32 v3, $8.191000000e+03  }
0x1f: {  	s31 =	sand.u32 $0x3E00, s3;
	v3 =	vtrunc.f32 v3  }
0x20: {  	s25 =	sand.u32 $0x10, s3;
	s24 =	sshrl.u32 s31, $0x2;
	v3 =	vcvt.f32.s32 v3  }
0x21: {  	s24 =	sor.u32 s25, s24  }
0x22: {  	s26 =	simm.s32 $0x10;
	[tilespmem:s24+$0x400] =	vst v3  }
0x23: {  	s28 =	simm.s32 $0x200;
	s25 =	simm.s32 $0x100;
	s24 =	simm.s32 $0x0;
	v3 =	vld [tilespmem:s26+$0x0]  }
.LBB2_2:
0x24: {  	p0 =	sne.s32 s28, $0x3F00;
	_ =	sdelay $0x3  }
0x25: {  	v3 =	vmul.f32 $8.192000000e+03, v3;
	_ =	sdelay $0x1  }
0x26: {  	v3 =	vadd.f32 $1.258291200e+07, v3;
	_ =	sdelay $0x1  }
0x27: {  	v3 =	vadd.f32 $-1.258291200e+07, v3;
	_ =	sdelay $0x1  }
0x28: {  	v3 =	vmax.f32 v3, $0.0e+00  }
0x29: {  	v3 =	vmin.f32 v3, $8.191000000e+03  }
.Ltmp0:
0x2a: {  	s25 =	sand.u32 $0x3E00, s25;
	s24 =	sadd.s32 $0x10, s24;
	v3 =	vtrunc.f32 v3;
	(pc) =	sbr.rel @p0 .LBB2_2-.Ltmp0, $4  }
0x2b: {  	s30 =	sand.u32 $0x10, s24;
	s31 =	sshrl.u32 s25, $0x2;
	s25 =	smov.u32 s28;
	v3 =	vcvt.f32.s32 v3  }
0x2c: {  	s30 =	sor.u32 s30, s31  }
0x2d: {  	s26 =	sadd.s32 $0x10, s26;
	[tilespmem:s30+$0x400] =	vst v3  }
0x2e: {  	s28 =	sadd.s32 $0x100, s28;
	v3 =	vld [tilespmem:s26+$0x0]  }
0x2f: {  	_ =	sdelay $0x3  }
0x30: {  	v3 =	vmul.f32 $8.192000000e+03, v3;
	_ =	sdelay $0x1  }
0x31: {  	v3 =	vadd.f32 $1.258291200e+07, v3;
	_ =	sdelay $0x1  }
0x32: {  	v3 =	vadd.f32 $-1.258291200e+07, v3;
	_ =	sdelay $0x1  }
0x33: {  	v3 =	vmax.f32 v3, $0.0e+00  }
0x34: {  	v3 =	vmin.f32 v3, $8.191000000e+03  }
0x35: {  	s25 =	sand.u32 $0x3E00, s25;
	s24 =	sadd.s32 $0x10, s24;
	v3 =	vtrunc.f32 v3  }
0x36: {  	s24 =	sand.u32 $0x10, s24;
	s25 =	sshrl.u32 s25, $0x2;
	v3 =	vcvt.f32.s32 v3  }
0x37: {  	s24 =	sor.u32 s24, s25  }
0x38: {  	[tilespmem:s24+$0x400] =	vst v3  }
0x39: {  	v3 =	vld [tilespmem:$0x400];
	_ =	sdelay $0x4  }
0x3a: {  	v4 =	vshll.u32 v3, $0x3  }
0x3b: {  	v3 =	vand.u32 $0x7, v3;
	v4 =	vand.u32 $0xFFFFFFC0, v4  }
0x3c: {  	v3 =	vor.u32 v3, v4  }
0x3d: {  	v4 =	vperm.xlane v3, v0;
	_ =	sdelay $0x1  }
0x3e: {  	v4 =	vadd.s32 v1, v4;
	_ =	sdelay $0x4  }
0x3f: {  	[tilespmem:s0], [sflag:$0x1] =	stream.indirect_vreg.gather [hbm4b:s2+s3], $0x80, v4, vm0, $0xb8;
	[tilespmem:$0x11400] =	vst v63  }
0x40: {  	s4 =	simm.s32 $0x1C00;
	v3 =	vperm.xlane v3, v2  }
0x41: {  	[tilespmem:s4], [sflag:$0x1] =	stream.indirect_vreg.gather [hbm4b:s5+s3], $0x80, v4, vm0, $0xb8;
	[tilespmem:$0x11400] =	vst v63  }
0x42: {  	s12 =	simm.s32 $0x2400;
	v3 =	vadd.s32 v1, v3  }
0x43: {  	[tilespmem:s12], [sflag:$0x1] =	stream.indirect_vreg.gather [hbm4b:s6+s3], $0x80, v4, vm0, $0xb8;
	[tilespmem:$0x11400] =	vst v63  }
0x44: {  	s26 =	simm.s32 $0x2C00  }
0x45: {  	[tilespmem:s26], [sflag:$0x1] =	stream.indirect_vreg.gather [hbm4b:s7+s3], $0x80, v4, vm0, $0xb8;
	[tilespmem:$0x11400] =	vst v63  }
0x46: {  	s28 =	simm.s32 $0x3400  }
0x47: {  	[tilespmem:s28], [sflag:$0x1] =	stream.indirect_vreg.gather [hbm4b:s2+s3], $0x80, v3, vm0, $0xb8;
	[tilespmem:$0x11400] =	vst v63  }
0x48: {  	s18 =	simm.s32 $0x3C00  }
0x49: {  	[tilespmem:s18], [sflag:$0x1] =	stream.indirect_vreg.gather [hbm4b:s5+s3], $0x80, v3, vm0, $0xb8;
	[tilespmem:$0x11400] =	vst v63  }
0x4a: {  	s24 =	simm.s32 $0x4400  }
0x4b: {  	[tilespmem:s24], [sflag:$0x1] =	stream.indirect_vreg.gather [hbm4b:s6+s3], $0x80, v3, vm0, $0xb8;
	[tilespmem:$0x11400] =	vst v63  }
0x4c: {  	s25 =	simm.s32 $0x4C00  }
0x4d: {  	[tilespmem:s25], [sflag:$0x1] =	stream.indirect_vreg.gather [hbm4b:s7+s3], $0x80, v3, vm0, $0xb8;
	[tilespmem:$0x11400] =	vst v63  }
0x4e: {  	v3 =	vld [tilespmem:$0x410];
	_ =	sdelay $0x4  }
0x4f: {  	v61 =	vshll.u32 v3, $0x3  }
0x50: {  	v3 =	vand.u32 $0x7, v3;
	v4 =	vand.u32 $0xFFFFFFC0, v61  }
0x51: {  	v3 =	vor.u32 v3, v4  }
0x52: {  	v4 =	vperm.xlane v3, v0;
	_ =	sdelay $0x1  }
0x53: {  	v4 =	vadd.s32 v1, v4;
	_ =	sdelay $0x3  }
0x54: {  	s4 =	simm.s32 $0x5400  }
0x55: {  	[tilespmem:s4], [sflag:$0x1] =	stream.indirect_vreg.gather [hbm4b:s2+s3], $0x80, v4, vm0, $0xb8;
	[tilespmem:$0x11400] =	vst v63  }
0x56: {  	s12 =	simm.s32 $0x5C00;
	v3 =	vperm.xlane v3, v2  }
0x57: {  	[tilespmem:s12], [sflag:$0x1] =	stream.indirect_vreg.gather [hbm4b:s5+s3], $0x80, v4, vm0, $0xb8;
	[tilespmem:$0x11400] =	vst v63  }
0x58: {  	s18 =	simm.s32 $0x6400;
	v3 =	vadd.s32 v1, v3  }
0x59: {  	[tilespmem:s18], [sflag:$0x1] =	stream.indirect_vreg.gather [hbm4b:s6+s3], $0x80, v4, vm0, $0xb8;
	[tilespmem:$0x11400] =	vst v63  }
0x5a: {  	s24 =	simm.s32 $0x6C00  }
0x5b: {  	[tilespmem:s24], [sflag:$0x1] =	stream.indirect_vreg.gather [hbm4b:s7+s3], $0x80, v4, vm0, $0xb8;
	[tilespmem:$0x11400] =	vst v63  }
0x5c: {  	s25 =	simm.s32 $0x7400  }
0x5d: {  	[tilespmem:s25], [sflag:$0x1] =	stream.indirect_vreg.gather [hbm4b:s2+s3], $0x80, v3, vm0, $0xb8;
	[tilespmem:$0x11400] =	vst v63  }
0x5e: {  	s4 =	simm.s32 $0x7C00  }
0x5f: {  	[tilespmem:s4], [sflag:$0x1] =	stream.indirect_vreg.gather [hbm4b:s5+s3], $0x80, v3, vm0, $0xb8;
	[tilespmem:$0x11400] =	vst v63  }
0x60: {  	s12 =	simm.s32 $0x8400  }
0x61: {  	[tilespmem:s12], [sflag:$0x1] =	stream.indirect_vreg.gather [hbm4b:s6+s3], $0x80, v3, vm0, $0xb8;
	[tilespmem:$0x11400] =	vst v63  }
0x62: {  	s18 =	simm.s32 $0x8C00  }
0x63: {  	[tilespmem:s18], [sflag:$0x1] =	stream.indirect_vreg.gather [hbm4b:s7+s3], $0x80, v3, vm0, $0xb8;
	[tilespmem:$0x11400] =	vst v63  }
0x64: {  	v3 =	vld [tilespmem:$0x480];
	_ =	sdelay $0x4  }
0x65: {  	v62 =	vshll.u32 v3, $0x3  }
0x66: {  	v3 =	vand.u32 $0x7, v3;
	v4 =	vand.u32 $0xFFFFFFC0, v62  }
0x67: {  	v3 =	vor.u32 v3, v4  }
0x68: {  	v4 =	vperm.xlane v3, v0;
	_ =	sdelay $0x1  }
0x69: {  	v4 =	vadd.s32 v1, v4;
	_ =	sdelay $0x4  }
0x6a: {  	[tilespmem:s1], [sflag:$0x2] =	stream.indirect_vreg.gather [hbm4b:s2+s3], $0x80, v4, vm0, $0xb8;
	[tilespmem:$0x11400] =	vst v63  }
0x6b: {  	s24 =	simm.s32 $0x9C00;
	v3 =	vperm.xlane v3, v2  }
0x6c: {  	[tilespmem:s24], [sflag:$0x2] =	stream.indirect_vreg.gather [hbm4b:s5+s3], $0x80, v4, vm0, $0xb8;
	[tilespmem:$0x11400] =	vst v63  }
0x6d: {  	v3 =	vadd.s32 v1, v3  }
0x6e: {  	[tilespmem:s19], [sflag:$0x2] =	stream.indirect_vreg.gather [hbm4b:s6+s3], $0x80, v4, vm0, $0xb8;
	[tilespmem:$0x11400] =	vst v63  }
0x6f: {  	s30 =	simm.s32 $0xAC00  }
0x70: {  	[tilespmem:s30], [sflag:$0x2] =	stream.indirect_vreg.gather [hbm4b:s7+s3], $0x80, v4, vm0, $0xb8;
	[tilespmem:$0x11400] =	vst v63  }
0x71: {  	s31 =	simm.s32 $0xB400  }
0x72: {  	[tilespmem:s31], [sflag:$0x2] =	stream.indirect_vreg.gather [hbm4b:s2+s3], $0x80, v3, vm0, $0xb8;
	[tilespmem:$0x11400] =	vst v63  }
0x73: {  	s0 =	simm.s32 $0xBC00  }
0x74: {  	[tilespmem:s0], [sflag:$0x2] =	stream.indirect_vreg.gather [hbm4b:s5+s3], $0x80, v3, vm0, $0xb8;
	[tilespmem:$0x11400] =	vst v63  }
0x75: {  	s1 =	simm.s32 $0xC400  }
0x76: {  	[tilespmem:s1], [sflag:$0x2] =	stream.indirect_vreg.gather [hbm4b:s6+s3], $0x80, v3, vm0, $0xb8;
	[tilespmem:$0x11400] =	vst v63  }
0x77: {  	s4 =	simm.s32 $0xCC00  }
0x78: {  	[tilespmem:s4], [sflag:$0x2] =	stream.indirect_vreg.gather [hbm4b:s7+s3], $0x80, v3, vm0, $0xb8;
	[tilespmem:$0x11400] =	vst v63  }
0x79: {  	v3 =	vld [tilespmem:$0x490];
	_ =	sdelay $0x4  }
0x7a: {  	v63 =	vshll.u32 v3, $0x3  }
0x7b: {  	v3 =	vand.u32 $0x7, v3;
	v4 =	vand.u32 $0xFFFFFFC0, v63  }
0x7c: {  	v3 =	vor.u32 v3, v4  }
0x7d: {  	v4 =	vperm.xlane v3, v0;
	_ =	sdelay $0x1  }
0x7e: {  	v4 =	vadd.s32 v1, v4;
	_ =	sdelay $0x4  }
0x7f: {  	[tilespmem:s10], [sflag:$0x2] =	stream.indirect_vreg.gather [hbm4b:s2+s3], $0x80, v4, vm0, $0xb8;
	[tilespmem:$0x11400] =	vst v63  }
0x80: {  	v3 =	vperm.xlane v3, v2  }
0x81: {  	[tilespmem:s9], [sflag:$0x2] =	stream.indirect_vreg.gather [hbm4b:s5+s3], $0x80, v4, vm0, $0xb8;
	[tilespmem:$0x11400] =	vst v63  }
0x82: {  	v3 =	vadd.s32 v1, v3  }
0x83: {  	[tilespmem:s11], [sflag:$0x2] =	stream.indirect_vreg.gather [hbm4b:s6+s3], $0x80, v4, vm0, $0xb8;
	[tilespmem:$0x11400] =	vst v63  }
0x84: {  	_ = 	snop  }
0x85: {  	[tilespmem:s13], [sflag:$0x2] =	stream.indirect_vreg.gather [hbm4b:s7+s3], $0x80, v4, vm0, $0xb8;
	[tilespmem:$0x11400] =	vst v63  }
0x86: {  	_ = 	snop  }
0x87: {  	[tilespmem:s14], [sflag:$0x2] =	stream.indirect_vreg.gather [hbm4b:s2+s3], $0x80, v3, vm0, $0xb8;
	[tilespmem:$0x11400] =	vst v63  }
0x88: {  	_ = 	snop  }
0x89: {  	[tilespmem:s15], [sflag:$0x2] =	stream.indirect_vreg.gather [hbm4b:s5+s3], $0x80, v3, vm0, $0xb8;
	[tilespmem:$0x11400] =	vst v63  }
0x8a: {  	_ = 	snop  }
0x8b: {  	[tilespmem:s29], [sflag:$0x2] =	stream.indirect_vreg.gather [hbm4b:s6+s3], $0x80, v3, vm0, $0xb8;
	[tilespmem:$0x11400] =	vst v63  }
0x8c: {  	_ = 	snop  }
0x8d: {  	[tilespmem:s17], [sflag:$0x2] =	stream.indirect_vreg.gather [hbm4b:s7+s3], $0x80, v3, vm0, $0xb8;
	[tilespmem:$0x11400] =	vst v63  }
0x8e: {  	_ =	swait.ge [sflag:s20], $0x8000  }
0x8f: {  	[sflag:s20] =	ssyncset.done $0x0  }
0x90: {  	s25 =	rddreg [dreg:$0x5];
	[sflag:s20] =	ssyncadd.s32 $0xFFFF8000  }
0x91: {  	[hbm4b:s25+s3] =	stream.linear.scatter [tilespmem:s8], [sflag:$0x3], $0x8000, $0x38;
	[tilespmem:$0x11400] =	vst v63  }
0x92: {  	s24 =	simm.s32 $0xFFFE2000;
	s12 =	rddreg [dreg:$0x7];
	s25 =	simm.s32 $0x590  }
.LBB2_4:
0x93: {  	_ =	swait.ge [sflag:s21], $0x8000  }
0x94: {  	[sflag:s21] =	ssyncset.done $0x0  }
0x95: {  	[sflag:s21] =	ssyncadd.s32 $0xFFFF8000  }
0x96: {  	v3 =	vld [tilespmem:s25+$0xFFFFFF70];
	_ =	sdelay $0x4  }
0x97: {  	v4 =	vshll.u32 v3, $0x3  }
0x98: {  	v3 =	vand.u32 $0x7, v3;
	v4 =	vand.u32 $0xFFFFFFC0, v4  }
0x99: {  	v3 =	vor.u32 v3, v4  }
0x9a: {  	v4 =	vperm.xlane v3, v0;
	_ =	sdelay $0x1  }
0x9b: {  	v4 =	vadd.s32 v1, v4;
	_ =	sdelay $0x4  }
0x9c: {  	[tilespmem:s8], [sflag:$0x1] =	stream.indirect_vreg.gather [hbm4b:s2+s3], $0x80, v4, vm0, $0xb8;
	[tilespmem:$0x11400] =	vst v63  }
0x9d: {  	s18 =	simm.s32 $0x1C00;
	v3 =	vperm.xlane v3, v2  }
0x9e: {  	[tilespmem:s18], [sflag:$0x1] =	stream.indirect_vreg.gather [hbm4b:s5+s3], $0x80, v4, vm0, $0xb8;
	[tilespmem:$0x11400] =	vst v63  }
0x9f: {  	v3 =	vadd.s32 v1, v3;
	s18 =	simm.s32 $0x2400  }
0xa0: {  	[tilespmem:s18], [sflag:$0x1] =	stream.indirect_vreg.gather [hbm4b:s6+s3], $0x80, v4, vm0, $0xb8;
	[tilespmem:$0x11400] =	vst v63  }
0xa1: {  	_ = 	snop  }
0xa2: {  	[tilespmem:s26], [sflag:$0x1] =	stream.indirect_vreg.gather [hbm4b:s7+s3], $0x80, v4, vm0, $0xb8;
	[tilespmem:$0x11400] =	vst v63  }
0xa3: {  	_ = 	snop  }
0xa4: {  	[tilespmem:s28], [sflag:$0x1] =	stream.indirect_vreg.gather [hbm4b:s2+s3], $0x80, v3, vm0, $0xb8;
	[tilespmem:$0x11400] =	vst v63  }
0xa5: {  	s26 =	simm.s32 $0x3C00  }
0xa6: {  	[tilespmem:s26], [sflag:$0x1] =	stream.indirect_vreg.gather [hbm4b:s5+s3], $0x80, v3, vm0, $0xb8;
	[tilespmem:$0x11400] =	vst v63  }
0xa7: {  	s26 =	simm.s32 $0x4400  }
0xa8: {  	[tilespmem:s26], [sflag:$0x1] =	stream.indirect_vreg.gather [hbm4b:s6+s3], $0x80, v3, vm0, $0xb8;
	[tilespmem:$0x11400] =	vst v63  }
0xa9: {  	s26 =	simm.s32 $0x4C00  }
0xaa: {  	[tilespmem:s26], [sflag:$0x1] =	stream.indirect_vreg.gather [hbm4b:s7+s3], $0x80, v3, vm0, $0xb8;
	[tilespmem:$0x11400] =	vst v63  }
0xab: {  	v3 =	vld [tilespmem:s25+$0xFFFFFF80];
	_ =	sdelay $0x4  }
0xac: {  	v61 =	vshll.u32 v3, $0x3  }
0xad: {  	v3 =	vand.u32 $0x7, v3;
	v4 =	vand.u32 $0xFFFFFFC0, v61  }
0xae: {  	v3 =	vor.u32 v3, v4  }
0xaf: {  	v4 =	vperm.xlane v3, v0;
	_ =	sdelay $0x1  }
0xb0: {  	v4 =	vadd.s32 v1, v4;
	_ =	sdelay $0x3  }
0xb1: {  	s26 =	simm.s32 $0x5400  }
0xb2: {  	[tilespmem:s26], [sflag:$0x1] =	stream.indirect_vreg.gather [hbm4b:s2+s3], $0x80, v4, vm0, $0xb8;
	[tilespmem:$0x11400] =	vst v63  }
0xb3: {  	v3 =	vperm.xlane v3, v2;
	s26 =	simm.s32 $0x5C00  }
0xb4: {  	[tilespmem:s26], [sflag:$0x1] =	stream.indirect_vreg.gather [hbm4b:s5+s3], $0x80, v4, vm0, $0xb8;
	[tilespmem:$0x11400] =	vst v63  }
0xb5: {  	v3 =	vadd.s32 v1, v3;
	s26 =	simm.s32 $0x6400  }
0xb6: {  	[tilespmem:s26], [sflag:$0x1] =	stream.indirect_vreg.gather [hbm4b:s6+s3], $0x80, v4, vm0, $0xb8;
	[tilespmem:$0x11400] =	vst v63  }
0xb7: {  	s26 =	simm.s32 $0x6C00  }
0xb8: {  	[tilespmem:s26], [sflag:$0x1] =	stream.indirect_vreg.gather [hbm4b:s7+s3], $0x80, v4, vm0, $0xb8;
	[tilespmem:$0x11400] =	vst v63  }
0xb9: {  	s26 =	simm.s32 $0x7400  }
0xba: {  	[tilespmem:s26], [sflag:$0x1] =	stream.indirect_vreg.gather [hbm4b:s2+s3], $0x80, v3, vm0, $0xb8;
	[tilespmem:$0x11400] =	vst v63  }
0xbb: {  	s26 =	simm.s32 $0x7C00  }
0xbc: {  	[tilespmem:s26], [sflag:$0x1] =	stream.indirect_vreg.gather [hbm4b:s5+s3], $0x80, v3, vm0, $0xb8;
	[tilespmem:$0x11400] =	vst v63  }
0xbd: {  	s26 =	simm.s32 $0x8400  }
0xbe: {  	[tilespmem:s26], [sflag:$0x1] =	stream.indirect_vreg.gather [hbm4b:s6+s3], $0x80, v3, vm0, $0xb8;
	[tilespmem:$0x11400] =	vst v63  }
0xbf: {  	s26 =	simm.s32 $0x8C00  }
0xc0: {  	[tilespmem:s26], [sflag:$0x1] =	stream.indirect_vreg.gather [hbm4b:s7+s3], $0x80, v3, vm0, $0xb8;
	[tilespmem:$0x11400] =	vst v63  }
0xc1: {  	_ =	swait.ge [sflag:s22], $0x8000  }
0xc2: {  	s26 =	sadd.s32 s24, s12;
	[sflag:s22] =	ssyncset.done $0x0  }
0xc3: {  	s28 =	sadd.s32 $0x1F000, s26;
	[sflag:s22] =	ssyncadd.s32 $0xFFFF8000  }
0xc4: {  	[hbm4b:s28+s3] =	stream.linear.scatter [tilespmem:s16], [sflag:$0x4], $0x8000, $0x38;
	[tilespmem:$0x11400] =	vst v63  }
0xc5: {  	_ =	swait.ge [sflag:s23], $0x8000  }
0xc6: {  	[sflag:s23] =	ssyncset.done $0x0  }
0xc7: {  	[sflag:s23] =	ssyncadd.s32 $0xFFFF8000  }
0xc8: {  	v3 =	vld [tilespmem:s25+$0xFFFFFFF0];
	_ =	sdelay $0x4  }
0xc9: {  	v62 =	vshll.u32 v3, $0x3  }
0xca: {  	v3 =	vand.u32 $0x7, v3;
	v4 =	vand.u32 $0xFFFFFFC0, v62  }
0xcb: {  	v3 =	vor.u32 v3, v4  }
0xcc: {  	v4 =	vperm.xlane v3, v0;
	_ =	sdelay $0x1  }
0xcd: {  	v4 =	vadd.s32 v1, v4;
	_ =	sdelay $0x4  }
0xce: {  	[tilespmem:s16], [sflag:$0x2] =	stream.indirect_vreg.gather [hbm4b:s2+s3], $0x80, v4, vm0, $0xb8;
	[tilespmem:$0x11400] =	vst v63  }
0xcf: {  	s18 =	simm.s32 $0x9C00;
	v3 =	vperm.xlane v3, v2  }
0xd0: {  	[tilespmem:s18], [sflag:$0x2] =	stream.indirect_vreg.gather [hbm4b:s5+s3], $0x80, v4, vm0, $0xb8;
	[tilespmem:$0x11400] =	vst v63  }
0xd1: {  	v3 =	vadd.s32 v1, v3  }
0xd2: {  	[tilespmem:s19], [sflag:$0x2] =	stream.indirect_vreg.gather [hbm4b:s6+s3], $0x80, v4, vm0, $0xb8;
	[tilespmem:$0x11400] =	vst v63  }
0xd3: {  	_ = 	snop  }
0xd4: {  	[tilespmem:s30], [sflag:$0x2] =	stream.indirect_vreg.gather [hbm4b:s7+s3], $0x80, v4, vm0, $0xb8;
	[tilespmem:$0x11400] =	vst v63  }
0xd5: {  	_ = 	snop  }
0xd6: {  	[tilespmem:s31], [sflag:$0x2] =	stream.indirect_vreg.gather [hbm4b:s2+s3], $0x80, v3, vm0, $0xb8;
	[tilespmem:$0x11400] =	vst v63  }
0xd7: {  	_ = 	snop  }
0xd8: {  	[tilespmem:s0], [sflag:$0x2] =	stream.indirect_vreg.gather [hbm4b:s5+s3], $0x80, v3, vm0, $0xb8;
	[tilespmem:$0x11400] =	vst v63  }
0xd9: {  	_ = 	snop  }
0xda: {  	[tilespmem:s1], [sflag:$0x2] =	stream.indirect_vreg.gather [hbm4b:s6+s3], $0x80, v3, vm0, $0xb8;
	[tilespmem:$0x11400] =	vst v63  }
0xdb: {  	_ = 	snop  }
0xdc: {  	[tilespmem:s4], [sflag:$0x2] =	stream.indirect_vreg.gather [hbm4b:s7+s3], $0x80, v3, vm0, $0xb8;
	[tilespmem:$0x11400] =	vst v63  }
0xdd: {  	v3 =	vld [tilespmem:s25+$0x0];
	_ =	sdelay $0x4  }
0xde: {  	v63 =	vshll.u32 v3, $0x3  }
0xdf: {  	v3 =	vand.u32 $0x7, v3;
	v4 =	vand.u32 $0xFFFFFFC0, v63  }
0xe0: {  	v3 =	vor.u32 v3, v4  }
0xe1: {  	v4 =	vperm.xlane v3, v0;
	_ =	sdelay $0x1  }
0xe2: {  	v4 =	vadd.s32 v1, v4;
	_ =	sdelay $0x4  }
0xe3: {  	[tilespmem:s10], [sflag:$0x2] =	stream.indirect_vreg.gather [hbm4b:s2+s3], $0x80, v4, vm0, $0xb8;
	[tilespmem:$0x11400] =	vst v63  }
0xe4: {  	v3 =	vperm.xlane v3, v2  }
0xe5: {  	[tilespmem:s9], [sflag:$0x2] =	stream.indirect_vreg.gather [hbm4b:s5+s3], $0x80, v4, vm0, $0xb8;
	[tilespmem:$0x11400] =	vst v63  }
0xe6: {  	v3 =	vadd.s32 v1, v3  }
0xe7: {  	[tilespmem:s11], [sflag:$0x2] =	stream.indirect_vreg.gather [hbm4b:s6+s3], $0x80, v4, vm0, $0xb8;
	[tilespmem:$0x11400] =	vst v63  }
0xe8: {  	_ = 	snop  }
0xe9: {  	[tilespmem:s13], [sflag:$0x2] =	stream.indirect_vreg.gather [hbm4b:s7+s3], $0x80, v4, vm0, $0xb8;
	[tilespmem:$0x11400] =	vst v63  }
0xea: {  	_ = 	snop  }
0xeb: {  	[tilespmem:s14], [sflag:$0x2] =	stream.indirect_vreg.gather [hbm4b:s2+s3], $0x80, v3, vm0, $0xb8;
	[tilespmem:$0x11400] =	vst v63  }
0xec: {  	_ = 	snop  }
0xed: {  	[tilespmem:s15], [sflag:$0x2] =	stream.indirect_vreg.gather [hbm4b:s5+s3], $0x80, v3, vm0, $0xb8;
	[tilespmem:$0x11400] =	vst v63  }
0xee: {  	s24 =	sadd.s32 $0x2000, s24  }
0xef: {  	[tilespmem:s29], [sflag:$0x2] =	stream.indirect_vreg.gather [hbm4b:s6+s3], $0x80, v3, vm0, $0xb8;
	[tilespmem:$0x11400] =	vst v63  }
0xf0: {  	p0 =	sne.s32 s24, $0x0  }
0xf1: {  	[tilespmem:s17], [sflag:$0x2] =	stream.indirect_vreg.gather [hbm4b:s7+s3], $0x80, v3, vm0, $0xb8;
	[tilespmem:$0x11400] =	vst v63  }
.Ltmp1:
0xf2: {  	_ =	swait.ge [sflag:s20], $0x8000;
	(pc) =	sbr.rel @p0 .LBB2_4-.Ltmp1, $4  }
0xf3: {  	[sflag:s20] =	ssyncset.done $0x0  }
0xf4: {  	s26 =	sadd.s32 $0x20000, s26;
	[sflag:s20] =	ssyncadd.s32 $0xFFFF8000  }
0xf5: {  	[hbm4b:s26+s3] =	stream.linear.scatter [tilespmem:s8], [sflag:$0x3], $0x8000, $0x38;
	[tilespmem:$0x11400] =	vst v63  }
0xf6: {  	s28 =	simm.s32 $0x3400;
	s25 =	sadd.s32 $0x100, s25;
	s26 =	simm.s32 $0x2C00  }
0xf7: {  	_ =	swait.ge [sflag:s22], $0x8000  }
0xf8: {  	s24 =	sadd.s32 s24, s12;
	[sflag:s22] =	ssyncset.done $0x0  }
0xf9: {  	s24 =	sadd.s32 $0x1F000, s24;
	[sflag:s22] =	ssyncadd.s32 $0xFFFF8000  }
0xfa: {  	[hbm4b:s24+s3] =	stream.linear.scatter [tilespmem:s16], [sflag:$0x4], $0x8000, $0x38;
	[tilespmem:$0x11400] =	vst v63  }
0xfb: {  	_ =	swait.ge [sflag:s21], $0x8000  }
0xfc: {  	[sflag:s21] =	ssyncset.done $0x0  }
0xfd: {  	[sflag:s21] =	ssyncadd.s32 $0xFFFF8000  }
0xfe: {  	_ =	swait.ge [sflag:s23], $0x8000  }
0xff: {  	s4 =	rddreg [dreg:$0x8]  }
0x100: {  	s31 =	rddreg [dreg:$0x6];
	s4 =	sadd.s32 $0x1, s4  }
0x101: {  	p0 =	sne.s32 s4, s31  }
.Ltmp2:
0x102: {  	_ = 	snop;
	(pc) =	sbr.rel @p0 .LBB2_1-.Ltmp2, $3  }
0x103: {  	_ =	sdelay $0x1  }
0x104: {  	[sflag:s23] =	ssyncset.done $0x0  }
0x105: {  	s0 =	simm.s32 $0x1400;
	s1 =	simm.s32 $0x9400;
	[sflag:s23] =	ssyncadd.s32 $0xFFFF8000  }
0x106: {  	_ =	sfence.sel $0x180000  }
0x107: {  	[bflag:$0x0] =	sbarrier.arrive $0xFFFF  }
0x108: {  	_ =	strace $0x90000047  }
0x109: {  	s0 =	stileid.u32;
	[bflag:$0x2] =	sbarrier.arrive $0xFFFF  }
0x10a: {  	p0 =	sne.s32 s0, $0x0;
	s0 =	rddreg [dreg:$0x3]  }
0x10b: {  	s0 =	sadd.s32 @!p0 $0x100000, s0  }
0x10c: {  	[sflag:s0] =	ssyncadd.tile.s32 @!p0 $0x1;
	_ =	shalt  }
.Lfunc_end2:
_tile_overlayer_lowered:
.L_overlay_start_2:
0x10d: {  	(tag) =	ssettag $0x2  }
0x10e: {  	s0 =	rddreg [dreg:$0x0];
	s2 =	stileid.u32  }
0x10f: {  	s1 =	rddreg [dreg:$0x1];
	p0 =	sne.s32 s2, $0x0  }
0x110: {  	s3 =	rddreg [dreg:$0x2];
	[bflag:$0x3] =	sbarrier.arrive $0xFFFF;
	s2 =	simm.s32 @!p0 $0x1C05  }
0x111: {  	[timem:s3], [sflag:s2] =	dma.local @!p0 [hbm:s0], s1  }
0x112: {  	s0 =	simm.s32 @!p0 $0x5  }
0x113: {  	_ =	swait.ge @!p0 [sflag:s0], s1  }
0x114: {  	s1 =	ssub.s32 @!p0 $0x0, s1;
	[sflag:s0] =	ssyncset.done @!p0 $0x0  }
0x115: {  	[sflag:s0] =	ssyncadd.s32 @!p0 s1  }
0x116: {  	[bflag:$0x3] =	sbarrier.arrive $0xFFFF  }
0x117: {  	_ =	shalt  }

</sc_bundles>
